<compile_context>
chip_gen: v7x
topology: tpu7x:2x2x1
jax: 0.10.2.dev20260603
libtpu: 0.0.44.dev20260713+nightly
codegen_flags: <defaults>
</compile_context>

<pallas_src>
import functools

import numpy as np

import jax
import jax.numpy as jnp
from jax import lax
from jax.experimental import pallas as pl
from jax.experimental.pallas import tpu as pltpu
from jax.experimental.pallas import tpu_sc as plsc

NC = 2
NS = 16
NW = NC * NS
L = 16

N_NODES = 10000
E_RAW = 160000
E_REAL = E_RAW + N_NODES
K_EDGE = 64
NCH = 88
PIECE = 8
NPIECE = NCH // PIECE
PER_TILE = NCH * K_EDGE
E_PAD = NW * PER_TILE
N_PAD = 10112
ROWS_PT = N_PAD // NS
ZR = 8

_f32 = jnp.float32


def _pad16(d):
  return ((d + 15) // 16) * 16



def _splat(v16, t):
  it16 = lax.broadcasted_iota(jnp.int32, (L,), 0)
  s = jnp.sum(jnp.where(it16 == t, v16, 0.0))
  return jnp.full((L,), s, _f32)


@functools.partial(jax.jit, static_argnames=("pd", "n_halves", "mode"))
def _sc_edges(src, dst, a0, a1, halves, pd, n_halves, mode, wtab=None):
  mesh = plsc.VectorSubcoreMesh(core_axis_name="c", subcore_axis_name="s",
                                num_cores=NC, num_subcores=NS)

  if mode == "logit":
    outs = [jax.ShapeDtypeStruct((NW, NCH, K_EDGE), _f32)]
  else:
    outs = []
    if mode != "deg":
      outs.append(jax.ShapeDtypeStruct((n_halves * NC, N_PAD, pd), _f32))
    if mode != "gcn":
      outs.append(jax.ShapeDtypeStruct((NC, NS, N_NODES), _f32))

  scratch = [
      pltpu.VMEM((PIECE, K_EDGE), jnp.int32),
      pltpu.VMEM((PIECE, K_EDGE), jnp.int32),
      pltpu.VMEM((N_NODES,), _f32),
      pltpu.VMEM((NCH, K_EDGE), _f32),
      pltpu.VMEM((N_NODES,), _f32),
      pltpu.VMEM((K_EDGE, pd), _f32),
      pltpu.VMEM((ZR, pd), _f32),
      pltpu.VMEM_SHARED((N_PAD, pd), _f32),
      pltpu.SemaphoreType.DMA,
  ]

  def body(*refs):
    it = iter(refs)
    src_h = next(it)
    dst_h = next(it)
    a0_h = next(it)
    a1_h = next(it)
    h_hs = [next(it) for _ in range(len(halves))]
    w_hbm = next(it) if mode == "gat" else None
    if mode == "logit":
      e_o = next(it)
      acc_o = s_o = None
    else:
      acc_o = next(it) if mode != "deg" else None
      s_o = next(it) if mode != "gcn" else None
    sidx_v = next(it)
    didx_v = next(it)
    a_v = next(it)
    w_v = next(it)
    s_v = next(it)
    rows_v = next(it)
    zero_v = next(it)
    acc_sp = next(it)
    sem = next(it)

    cid = lax.axis_index("c")
    sid = lax.axis_index("s")
    wid = sid * NC + cid

    iota = lax.broadcasted_iota(jnp.int32, (L,), 0)
    zero16 = iota.astype(_f32) * 0.0

    if mode in ("deg", "gat"):
      def zs(i, c):
        s_v[pl.ds(i * L, L)] = zero16
        return c
      lax.fori_loop(0, N_NODES // L, zs, 0)

    tile_base = wid * PER_TILE

    if mode == "deg":
      def p1o(p, c):
        pltpu.sync_copy(dst_h.at[wid, pl.ds(p * PIECE, PIECE)], didx_v)
        def p1(j, c2):
          for q in range(K_EDGE // L):
            gid = (tile_base + (p * PIECE + j) * K_EDGE + q * L) + iota
            w = jnp.where(gid < E_REAL, 1.0, 0.0).astype(_f32)
            dz = didx_v[j, pl.ds(q * L, L)]
            plsc.addupdate_scatter(s_v, [dz], w)
          return c2
        lax.fori_loop(0, PIECE, p1, 0)
        return c
      lax.fori_loop(0, NPIECE, p1o, 0)
    elif mode == "gcn":
      pltpu.sync_copy(a0_h, a_v)
      def p1o(p, c):
        pltpu.sync_copy(src_h.at[wid, pl.ds(p * PIECE, PIECE)], sidx_v)
        pltpu.sync_copy(dst_h.at[wid, pl.ds(p * PIECE, PIECE)], didx_v)
        def p1(j, c2):
          for q in range(K_EDGE // L):
            gid = (tile_base + (p * PIECE + j) * K_EDGE + q * L) + iota
            sz = sidx_v[j, pl.ds(q * L, L)]
            dz = didx_v[j, pl.ds(q * L, L)]
            w = plsc.load_gather(a_v, [sz]) * plsc.load_gather(a_v, [dz])
            w = jnp.where(gid < E_REAL, w, 0.0)
            w_v[p * PIECE + j, pl.ds(q * L, L)] = w
          return c2
        lax.fori_loop(0, PIECE, p1, 0)
        return c
      lax.fori_loop(0, NPIECE, p1o, 0)
    elif mode == "logit":
      pltpu.sync_copy(a0_h, a_v)
      def pao(p, c):
        pltpu.sync_copy(src_h.at[wid, pl.ds(p * PIECE, PIECE)], sidx_v)
        def pa(j, c2):
          for q in range(K_EDGE // L):
            sz = sidx_v[j, pl.ds(q * L, L)]
            w_v[p * PIECE + j, pl.ds(q * L, L)] = plsc.load_gather(a_v, [sz])
          return c2
        lax.fori_loop(0, PIECE, pa, 0)
        return c
      lax.fori_loop(0, NPIECE, pao, 0)
      pltpu.sync_copy(a1_h, a_v)
      def pbo(p, c):
        pltpu.sync_copy(dst_h.at[wid, pl.ds(p * PIECE, PIECE)], didx_v)
        def pb(j, c2):
          for q in range(K_EDGE // L):
            dz = didx_v[j, pl.ds(q * L, L)]
            e = (w_v[p * PIECE + j, pl.ds(q * L, L)] +
                 plsc.load_gather(a_v, [dz]))
            e = jnp.maximum(e, 0.2 * e)
            w_v[p * PIECE + j, pl.ds(q * L, L)] = e
          return c2
        lax.fori_loop(0, PIECE, pb, 0)
        return c
      lax.fori_loop(0, NPIECE, pbo, 0)
      pltpu.sync_copy(w_v, e_o.at[wid])
      return
    else:
      pltpu.sync_copy(w_hbm.at[wid], w_v)
      def pbo(p, c):
        pltpu.sync_copy(dst_h.at[wid, pl.ds(p * PIECE, PIECE)], didx_v)
        def pb(j, c2):
          for q in range(K_EDGE // L):
            dz = didx_v[j, pl.ds(q * L, L)]
            w = w_v[p * PIECE + j, pl.ds(q * L, L)]
            plsc.addupdate_scatter(s_v, [dz], w)
          return c2
        lax.fori_loop(0, PIECE, pb, 0)
        return c
      lax.fori_loop(0, NPIECE, pbo, 0)

    if mode != "gcn":
      pltpu.sync_copy(s_v, s_o.at[cid].at[sid])

    if mode == "deg":
      return

    def zz(r, c):
      for cc in range(pd // L):
        zero_v[r, pl.ds(cc * L, L)] = zero16
      return c
    lax.fori_loop(0, ZR, zz, 0)

    for h in range(len(halves)):
      def zacc(r, c):
        pltpu.sync_copy(zero_v, acc_sp.at[pl.ds(sid * ROWS_PT + r * ZR, ZR)])
        return c
      lax.fori_loop(0, ROWS_PT // ZR, zacc, 0)
      plsc.subcore_barrier()

      def p2o(p, c, h=h):
        pltpu.sync_copy(src_h.at[wid, pl.ds(p * PIECE, PIECE)], sidx_v)
        pltpu.sync_copy(dst_h.at[wid, pl.ds(p * PIECE, PIECE)], didx_v)

        def pass2(j, c2):
          pltpu.async_copy(h_hs[h].at[sidx_v.at[j]], rows_v, sem).wait()
          for q in range(K_EDGE // L):
            w16 = w_v[p * PIECE + j, pl.ds(q * L, L)]
            for t in range(L):
              ws = _splat(w16, t)
              k = q * L + t
              for cc in range(pd // L):
                rows_v[k, pl.ds(cc * L, L)] = (
                    rows_v[k, pl.ds(cc * L, L)] * ws)
          pltpu.sync_copy(rows_v, acc_sp.at[didx_v.at[j]], add=True)
          return c2
        lax.fori_loop(0, PIECE, pass2, 0)
        return c
      lax.fori_loop(0, NPIECE, p2o, 0)

      plsc.subcore_barrier()
      def cout(r, c, h=h):
        sl = pl.ds(sid * ROWS_PT + r * ZR, ZR)
        pltpu.sync_copy(acc_sp.at[sl], acc_o.at[h * NC + cid].at[sl])
        return c
      lax.fori_loop(0, ROWS_PT // ZR, cout, 0)

  kern = pl.kernel(body, out_type=tuple(outs), mesh=mesh,
                   scratch_types=scratch,
                   compiler_params=pltpu.CompilerParams(
                       needs_layout_passes=False))
  ins = (src, dst, a0, a1) + tuple(halves)
  if mode == "gat":
    ins = ins + (wtab,)
  res = kern(*ins)
  one = res[0] if isinstance(res, (tuple, list)) else res
  if mode == "logit":
    return one
  if mode == "deg":
    return None, one
  if mode == "gcn":
    return one, None
  return res[0], res[1]


def _tc_exp(e):
  rows = E_PAD // 128
  flat = e.reshape(rows, 128)

  def body(e_ref, o_ref):
    fid = (lax.broadcasted_iota(jnp.int32, (rows, 128), 0) * 128 +
           lax.broadcasted_iota(jnp.int32, (rows, 128), 1))
    o_ref[...] = jnp.where(fid < E_REAL, jnp.exp(e_ref[...]), 0.0)

  out = pl.pallas_call(
      body,
      out_shape=jax.ShapeDtypeStruct((rows, 128), _f32),
  )(flat)
  return out.reshape(NW, NCH, K_EDGE)



_RB = 1000


def _tc_matmul(x, w):
  n, a = x.shape
  b = w.shape[1]

  def body(x_ref, w_ref, o_ref):
    o_ref[...] = jnp.dot(x_ref[...], w_ref[...],
                         preferred_element_type=_f32)

  return pl.pallas_call(
      body,
      grid=(n // _RB,),
      in_specs=[pl.BlockSpec((_RB, a), lambda i: (i, 0)),
                pl.BlockSpec((a, b), lambda i: (0, 0))],
      out_specs=pl.BlockSpec((_RB, b), lambda i: (i, 0)),
      out_shape=jax.ShapeDtypeStruct((n, b), _f32),
  )(x, w)


def _tc_sum32(s_part, rsqrt=False):
  def body(s_ref, o_ref):
    v = jnp.sum(s_ref[...], axis=(0, 1))
    if rsqrt:
      v = 1.0 / jnp.sqrt(v)
    o_ref[...] = jnp.broadcast_to(v[:, None], (N_NODES, 8))

  return pl.pallas_call(
      body,
      out_shape=jax.ShapeDtypeStruct((N_NODES, 8), _f32),
  )(s_part)


def _hw(d, h):
  return min(128, d - 128 * h)


def _tc_gcn_finish(acc, b1, x, w2p, a2s, a2d, d1, n_h2):
  n = N_NODES
  d2 = w2p.shape[0]
  p2_tot = w2p.shape[1]

  def body(acc_ref, b1_ref, x_ref, w2_ref, as_ref, ad_ref, *out_refs):
    agg = acc_ref[0] + acc_ref[1]
    x1 = jax.nn.relu(agg[:, :d1] + b1_ref[...])
    out_refs[0][...] = x1
    cat = jnp.concatenate([x1, x_ref[...]], axis=1)
    h2 = jnp.dot(cat, w2_ref[...], preferred_element_type=_f32)
    for hh in range(n_h2):
      out_refs[1 + hh][...] = h2[:, hh * 128:(hh + 1) * 128]
    asrc = jnp.dot(h2, as_ref[...], preferred_element_type=_f32)
    adst = jnp.dot(h2, ad_ref[...], preferred_element_type=_f32)
    out_refs[1 + n_h2][...] = jnp.broadcast_to(asrc, (_RB, 8))
    out_refs[2 + n_h2][...] = jnp.broadcast_to(adst, (_RB, 8))

  out_specs = ([pl.BlockSpec((_RB, d1), lambda i: (i, 0))] +
               [pl.BlockSpec((_RB, 128), lambda i: (i, 0))] * n_h2 +
               [pl.BlockSpec((_RB, 8), lambda i: (i, 0))] * 2)
  out_shape = ([jax.ShapeDtypeStruct((n, d1), _f32)] +
               [jax.ShapeDtypeStruct((n, 128), _f32)] * n_h2 +
               [jax.ShapeDtypeStruct((n, 8), _f32)] * 2)
  return pl.pallas_call(
      body,
      grid=(n // _RB,),
      in_specs=[pl.BlockSpec((2, _RB, 128), lambda i: (0, i, 0)),
                pl.BlockSpec((1, d1), lambda i: (0, 0)),
                pl.BlockSpec((_RB, d1), lambda i: (i, 0)),
                pl.BlockSpec((d2, p2_tot), lambda i: (0, 0)),
                pl.BlockSpec((p2_tot, 1), lambda i: (0, 0)),
                pl.BlockSpec((p2_tot, 1), lambda i: (0, 0))],
      out_specs=out_specs,
      out_shape=out_shape,
  )(acc, b1, x, w2p, a2s, a2d)


def _tc_gat_finish(acc, s_part, b2, x1, x, w3p, a3s, a3d, d1, d2, n_h2, n_h3):
  n = N_NODES
  d3 = w3p.shape[0]
  p3_tot = w3p.shape[1]

  def body(acc_ref, s_ref, b2_ref, x1_ref, x_ref, w3_ref, as_ref, ad_ref,
           *out_refs):
    s = s_ref[:, 0]
    parts = [(acc_ref[2 * hh] + acc_ref[2 * hh + 1])[:, :_hw(d2, hh)]
             for hh in range(n_h2)]
    agg = jnp.concatenate(parts, axis=1) if n_h2 > 1 else parts[0]
    x2 = jax.nn.relu(agg / s[:, None] + b2_ref[...])
    cat = jnp.concatenate([x1_ref[...], x_ref[...], x2], axis=1)
    h3 = jnp.dot(cat, w3_ref[...], preferred_element_type=_f32)
    for hh in range(n_h3):
      out_refs[hh][...] = h3[:, hh * 128:(hh + 1) * 128]
    asrc = jnp.dot(h3, as_ref[...], preferred_element_type=_f32)
    adst = jnp.dot(h3, ad_ref[...], preferred_element_type=_f32)
    out_refs[n_h3][...] = jnp.broadcast_to(asrc, (_RB, 8))
    out_refs[n_h3 + 1][...] = jnp.broadcast_to(adst, (_RB, 8))

  out_specs = ([pl.BlockSpec((_RB, 128), lambda i: (i, 0))] * n_h3 +
               [pl.BlockSpec((_RB, 8), lambda i: (i, 0))] * 2)
  out_shape = ([jax.ShapeDtypeStruct((n, 128), _f32)] * n_h3 +
               [jax.ShapeDtypeStruct((n, 8), _f32)] * 2)
  return pl.pallas_call(
      body,
      grid=(n // _RB,),
      in_specs=[pl.BlockSpec((2 * n_h2, _RB, 128), lambda i: (0, i, 0)),
                pl.BlockSpec((_RB, 8), lambda i: (i, 0)),
                pl.BlockSpec((1, d2), lambda i: (0, 0)),
                pl.BlockSpec((_RB, d1), lambda i: (i, 0)),
                pl.BlockSpec((_RB, d1), lambda i: (i, 0)),
                pl.BlockSpec((d3, p3_tot), lambda i: (0, 0)),
                pl.BlockSpec((p3_tot, 1), lambda i: (0, 0)),
                pl.BlockSpec((p3_tot, 1), lambda i: (0, 0))],
      out_specs=out_specs,
      out_shape=out_shape,
  )(acc, s_part, b2, x1, x, w3p, a3s, a3d)


def _tc_gat3_pool(acc, s_part, b3, batch3d, d3, n_h3):
  n = N_NODES
  B = 128

  def body(acc_ref, s_ref, b3_ref, bt_ref, o_ref):
    i = pl.program_id(0)
    s = s_ref[:, 0]
    parts = []
    for hh in range(n_h3):
      agg = acc_ref[2 * hh] + acc_ref[2 * hh + 1]
      parts.append(agg[:, :_hw(d3, hh)])
    agg = jnp.concatenate(parts, axis=1)
    x3 = jax.nn.relu(agg / s[:, None] + b3_ref[...])
    bt = bt_ref[0, 0, :]
    oh = (bt[:, None] == lax.broadcasted_iota(jnp.int32, (_RB, B), 1))
    oh = oh.astype(_f32)
    x3c = jnp.concatenate([x3, jnp.ones((_RB, 1), _f32)], axis=1)
    part = lax.dot_general(oh, x3c, (((0,), (0,)), ((), ())),
                           precision=lax.Precision.HIGHEST,
                           preferred_element_type=_f32)

    @pl.when(i == 0)
    def _():
      o_ref[...] = jnp.zeros_like(o_ref)
    o_ref[...] += part

  return pl.pallas_call(
      body,
      grid=(n // _RB,),
      in_specs=[pl.BlockSpec((2 * n_h3, _RB, 128), lambda i: (0, i, 0)),
                pl.BlockSpec((_RB, 8), lambda i: (i, 0)),
                pl.BlockSpec((1, d3), lambda i: (0, 0)),
                pl.BlockSpec((1, 1, _RB), lambda i: (i, 0, 0))],
      out_specs=pl.BlockSpec((128, d3 + 1), lambda i: (0, 0)),
      out_shape=jax.ShapeDtypeStruct((128, d3 + 1), _f32),
  )(acc, s_part, b3, batch3d)


def _ln(x, g, b):
  m = jnp.mean(x, axis=-1, keepdims=True)
  v = jnp.mean((x - m) ** 2, axis=-1, keepdims=True)
  return g * (x - m) / jnp.sqrt(v + 1e-5) + b


def _bn(x, g, b):
  m = jnp.mean(x, axis=0)
  v = jnp.mean((x - m) ** 2, axis=0)
  return g * (x - m) / jnp.sqrt(v + 1e-5) + b


def _tc_fusion(pooled_mol, pooled_pro, smiles, sequence, e3fp, ergfp, pubfp,
               maccsfp, smi_m, seq_m, pf):
  B = 128
  names = ['mol_graph', 'pro_graph', 'smiles_seq', 'protein_seq', 'smi_m',
           'seq_m', 'e3fp', 'ergfp', 'pubfp', 'maccsfp']

  p = pf
  flat = [
      p['mol_fc1']['w'], p['mol_fc1']['b'][None, :],
      p['mol_fc2']['w'], p['mol_fc2']['b'][None, :],
      p['pro_fc1']['w'], p['pro_fc1']['b'][None, :],
      p['pro_fc2']['w'], p['pro_fc2']['b'][None, :],
      p['sm_emb'], p['sm_fc']['w'], p['sm_fc']['b'][None, :],
      p['se_emb'], p['se_fc']['w'], p['se_fc']['b'][None, :],
      p['q_fc']['w'], p['q_fc']['b'][None, :],
      p['d_fc']['w'], p['d_fc']['b'][None, :],
      p['f1']['w'], p['f1']['b'][None, :],
      p['f2']['w'], p['f2']['b'][None, :],
      p['f3']['w'], p['f3']['b'][None, :],
      p['f4']['w'], p['f4']['b'][None, :],
      jnp.stack([p['ft'][n]['w'] for n in names]),
      jnp.stack([p['ft'][n]['b'] for n in names]),
      jnp.stack([p['ft'][n]['g'] for n in names]),
      jnp.stack([p['ft'][n]['be'] for n in names]),
      jnp.stack([p['gate'][n]['w'][:, 0] for n in names]),
      jnp.stack([p['gate'][n]['b'] for n in names]),
      p['op1']['w'], p['op1']['b'][None, :],
      p['op2']['w'], p['op2']['b'][None, :],
      p['fc1']['w'], p['fc1']['b'][None, :],
      p['bn1']['g'][None, :], p['bn1']['be'][None, :],
      p['fc2']['w'], p['fc2']['b'][None, :],
      p['bn2']['g'][None, :], p['bn2']['be'][None, :],
      p['out']['w'], p['out']['b'][None, :],
      p['bno']['g'][None, :], p['bno']['be'][None, :],
  ]

  def body(pm_ref, pp_ref, sm_ref, se_ref, e3_ref, er_ref, pu_ref, ma_ref,
           qm_ref, dm_ref,
           mf1w, mf1b, mf2w, mf2b, pf1w, pf1b, pf2w, pf2b,
           smemb, smfw, smfb, seemb, sefw, sefb,
           qw, qb, dw, db, f1w, f1b, f2w, f2b, f3w, f3b, f4w, f4b,
           ftw, ftb, ftg, ftbe, gww, gwb,
           op1w, op1b, op2w, op2b, fc1w, fc1b, bn1g, bn1b,
           fc2w, fc2b, bn2g, bn2b, outw, outb, bnog, bnob,
           o_ref):
    r = jax.nn.relu

    def lin(x, w, b):
      return jnp.dot(x, w[...], preferred_element_type=_f32) + b[...]

    pm = pm_ref[...]
    dm_mol = pm.shape[1] - 1
    mg_mean = pm[:, :dm_mol] / jnp.maximum(pm[:, dm_mol:], 1.0)
    mg = lin(r(lin(mg_mean, mf1w, mf1b)), mf2w, mf2b)

    pp = pp_ref[...]
    dm_pro = pp.shape[1] - 1
    pg_mean = pp[:, :dm_pro] / jnp.maximum(pp[:, dm_pro:], 1.0)
    pg = lin(r(lin(pg_mean, pf1w, pf1b)), pf2w, pf2b)

    def hist(tok_ref, vocab):
      cnt = jnp.zeros((B, vocab), _f32)
      for c in range(8):
        tok = tok_ref[:, c * 128:(c + 1) * 128]
        oh = (tok[:, :, None] ==
              lax.broadcasted_iota(jnp.int32, (B, 128, vocab), 2))
        cnt = cnt + jnp.sum(oh.astype(_f32), axis=1)
      return cnt

    sm_mean = jnp.dot(hist(sm_ref, 64), smemb[...],
                      precision=lax.Precision.HIGHEST,
                      preferred_element_type=_f32) * (1.0 / 1024.0)
    sm = lin(sm_mean, smfw, smfb)
    se_mean = jnp.dot(hist(se_ref, 26), seemb[...],
                      precision=lax.Precision.HIGHEST,
                      preferred_element_type=_f32) * (1.0 / 1024.0)
    se = lin(se_mean, sefw, sefb)

    feats = [mg, pg, sm, se,
             lin(qm_ref[...], qw, qb), lin(dm_ref[...], dw, db),
             lin(e3_ref[...], f1w, f1b), lin(er_ref[...], f2w, f2b),
             lin(pu_ref[...], f3w, f3b), lin(ma_ref[...], f4w, f4b)]

    trs = []
    gcols = []
    for i in range(10):
      t = r(jnp.dot(feats[i], ftw[i], preferred_element_type=_f32) +
            ftb[i][None, :])
      t = _ln(t, ftg[i][None, :], ftbe[i][None, :])
      trs.append(t)
      gcols.append(jnp.sum(t * gww[i][None, :], axis=1, keepdims=True) +
                   gwb[i][None, :])
    gw = jax.nn.softmax(jax.nn.sigmoid(jnp.concatenate(gcols, axis=1)),
                        axis=1)
    fused = jnp.concatenate(
        [gw[:, i:i + 1] * trs[i] for i in range(10)], axis=1)
    fused = lin(r(lin(fused, op1w, op1b)), op2w, op2b)
    xc = r(_bn(lin(fused, fc1w, fc1b), bn1g[...], bn1b[...]))
    xc = r(_bn(lin(xc, fc2w, fc2b), bn2g[...], bn2b[...]))
    o_ref[...] = _bn(lin(xc, outw, outb), bnog[...], bnob[...])

  ins = [pooled_mol, pooled_pro, smiles, sequence, e3fp, ergfp, pubfp,
         maccsfp, smi_m, seq_m] + flat
  return pl.pallas_call(
      body,
      out_shape=jax.ShapeDtypeStruct((B, 1), _f32),
      compiler_params=pltpu.CompilerParams(
          vmem_limit_bytes=100 * 1024 * 1024),
  )(*ins)



def _prep_edges(ei):
  loop = jnp.arange(N_NODES, dtype=jnp.int32)
  src = jnp.concatenate([ei[0].astype(jnp.int32), loop])
  dst = jnp.concatenate([ei[1].astype(jnp.int32), loop])
  pad = E_PAD - E_REAL
  src = jnp.concatenate([src, jnp.zeros((pad,), jnp.int32)])
  dst = jnp.concatenate([dst, jnp.zeros((pad,), jnp.int32)])
  return (src.reshape(NW, NCH, K_EDGE), dst.reshape(NW, NCH, K_EDGE))


def _pad_w(w, rows, cols):
  return jnp.pad(w, ((0, rows - w.shape[0]), (0, cols - w.shape[1])))


def _gnn_stack(x, ei, batch, pc1, pc2, pc3, d1):
  d2, d3 = 2 * d1, 4 * d1
  n_h2 = (d2 + 127) // 128
  n_h3 = (d3 + 127) // 128

  src, dst = _prep_edges(ei)
  zeros_n = jnp.zeros((N_NODES,), _f32)

  _, deg_part = _sc_edges(src, dst, zeros_n, zeros_n, (),
                          pd=16, n_halves=0, mode="deg")
  dinv = _tc_sum32(deg_part, rsqrt=True)[:, 0]

  h1 = _tc_matmul(x, _pad_w(pc1['w'], d1, 128))
  acc1, _ = _sc_edges(src, dst, dinv, dinv, (h1,),
                      pd=128, n_halves=1, mode="gcn")

  w2p = _pad_w(pc2['w'], d2, 128 * n_h2)
  a2s = _pad_w(pc2['a_src'][:, None], 128 * n_h2, 1)
  a2d = _pad_w(pc2['a_dst'][:, None], 128 * n_h2, 1)
  outs2 = _tc_gcn_finish(acc1, pc1['b'][None, :], x, w2p, a2s, a2d,
                         d1, n_h2)
  x1 = outs2[0]
  h2s = tuple(outs2[1:1 + n_h2])
  asrc2, adst2 = outs2[1 + n_h2], outs2[2 + n_h2]

  e2 = _sc_edges(src, dst, asrc2[:, 0], adst2[:, 0], (),
                 pd=16, n_halves=0, mode="logit")
  acc2, s2 = _sc_edges(src, dst, zeros_n, zeros_n, h2s,
                       pd=128, n_halves=n_h2, mode="gat", wtab=_tc_exp(e2))

  w3p = _pad_w(pc3['w'], d3, 128 * n_h3)
  a3s = _pad_w(pc3['a_src'][:, None], 128 * n_h3, 1)
  a3d = _pad_w(pc3['a_dst'][:, None], 128 * n_h3, 1)
  outs3 = _tc_gat_finish(acc2, _tc_sum32(s2), pc2['b'][None, :], x1, x,
                         w3p, a3s, a3d, d1, d2, n_h2, n_h3)
  h3s = tuple(outs3[:n_h3])
  asrc3, adst3 = outs3[n_h3], outs3[n_h3 + 1]

  e3 = _sc_edges(src, dst, asrc3[:, 0], adst3[:, 0], (),
                 pd=16, n_halves=0, mode="logit")
  acc3, s3 = _sc_edges(src, dst, zeros_n, zeros_n, h3s,
                       pd=128, n_halves=n_h3, mode="gat", wtab=_tc_exp(e3))

  batch3d = batch.astype(jnp.int32).reshape(N_NODES // _RB, 1, _RB)
  pooled = _tc_gat3_pool(acc3, _tc_sum32(s3), pc3['b'][None, :], batch3d,
                         d3, n_h3)
  return pooled



def kernel(smiles, sequence, e3fp, ergfp, pubfp, maccsfp, mol_x,
           mol_edge_index, mol_batch, pro_x, pro_edge_index, pro_batch,
           smi_m, seq_m, params):
  p = params
  pooled_mol = _gnn_stack(mol_x, mol_edge_index, mol_batch,
                          p['mol_c1'], p['mol_c2'], p['mol_c3'], 78)
  pooled_pro = _gnn_stack(pro_x, pro_edge_index, pro_batch,
                          p['pro_c1'], p['pro_c2'], p['pro_c3'], 33)

  pf = {k: p[k] for k in
        ['mol_fc1', 'mol_fc2', 'pro_fc1', 'pro_fc2', 'sm_emb', 'sm_fc',
         'se_emb', 'se_fc', 'q_fc', 'd_fc', 'f1', 'f2', 'f3', 'f4',
         'ft', 'gate', 'op1', 'op2', 'fc1', 'bn1', 'fc2', 'bn2',
         'out', 'bno']}
  return _tc_fusion(pooled_mol, pooled_pro, smiles.astype(jnp.int32),
                    sequence.astype(jnp.int32), e3fp, ergfp, pubfp, maccsfp,
                    smi_m, seq_m, pf)

# --- scband reference (transcript-rebuilt; emitter-appended) ---
"""Pipeline reference for scband-core-net-39092792328229 (READ-ONLY COPY).

The authoritative reference and input builder live on the scoring server;
editing this copy changes nothing except your own understanding.
"""

import jax, jax.numpy as jnp
import numpy as np

B = 128
NM = 10000; EM = 160000
NP_ = 10000; EP = 160000

def _params():
    rng = np.random.default_rng(0)
    def W(i, o): return jnp.asarray(rng.normal(0, 0.05, (i, o)).astype(np.float32))
    def A(d): return jnp.asarray(rng.normal(0, 0.05, (d,)).astype(np.float32))
    def Z(d): return jnp.zeros((d,), jnp.float32)
    def O(d): return jnp.ones((d,), jnp.float32)
    p = {}
    p['mol_c1'] = {'w': W(78, 78), 'b': Z(78)}
    p['mol_c2'] = {'w': W(156, 156), 'a_src': A(156), 'a_dst': A(156), 'b': Z(156)}
    p['mol_c3'] = {'w': W(312, 312), 'a_src': A(312), 'a_dst': A(312), 'b': Z(312)}
    p['mol_fc1'] = {'w': W(312, 256), 'b': Z(256)}
    p['mol_fc2'] = {'w': W(256, 256), 'b': Z(256)}
    p['pro_c1'] = {'w': W(33, 33), 'b': Z(33)}
    p['pro_c2'] = {'w': W(66, 66), 'a_src': A(66), 'a_dst': A(66), 'b': Z(66)}
    p['pro_c3'] = {'w': W(132, 132), 'a_src': A(132), 'a_dst': A(132), 'b': Z(132)}
    p['pro_fc1'] = {'w': W(132, 256), 'b': Z(256)}
    p['pro_fc2'] = {'w': W(256, 256), 'b': Z(256)}
    p['sm_emb'] = W(64, 128); p['sm_fc'] = {'w': W(128, 256), 'b': Z(256)}
    p['se_emb'] = W(26, 128); p['se_fc'] = {'w': W(128, 256), 'b': Z(256)}
    p['q_fc'] = {'w': W(1024, 256), 'b': Z(256)}
    p['d_fc'] = {'w': W(1024, 256), 'b': Z(256)}
    p['f1'] = {'w': W(1024, 256), 'b': Z(256)}
    p['f2'] = {'w': W(315, 256), 'b': Z(256)}
    p['f3'] = {'w': W(881, 256), 'b': Z(256)}
    p['f4'] = {'w': W(166, 256), 'b': Z(256)}
    names = ['mol_graph','pro_graph','smiles_seq','protein_seq','smi_m','seq_m','e3fp','ergfp','pubfp','maccsfp']
    p['ft'] = {n: {'w': W(256, 512), 'b': Z(512), 'g': O(512), 'be': Z(512)} for n in names}
    p['gate'] = {n: {'w': W(512, 1), 'b': Z(1)} for n in names}
    p['op1'] = {'w': W(5120, 512), 'b': Z(512)}
    p['op2'] = {'w': W(512, 512), 'b': Z(512)}
    p['fc1'] = {'w': W(512, 1024), 'b': Z(1024)}; p['bn1'] = {'g': O(1024), 'be': Z(1024)}
    p['fc2'] = {'w': W(1024, 512), 'b': Z(512)}; p['bn2'] = {'g': O(512), 'be': Z(512)}
    p['out'] = {'w': W(512, 1), 'b': Z(1)}; p['bno'] = {'g': O(1), 'be': Z(1)}
    return p

def setup_inputs(seed: int = 0):
    key = jax.random.key(seed)
    ks = jax.random.split(key, 16)
    inp = {}
    inp['smiles'] = jax.random.randint(ks[0], (B, 1024), 0, 64)
    inp['sequence'] = jax.random.randint(ks[1], (B, 1024), 0, 26)
    inp['e3fp'] = jax.random.uniform(ks[2], (B, 1024), dtype=jnp.float32)
    inp['ergfp'] = jax.random.uniform(ks[3], (B, 315), dtype=jnp.float32)
    inp['pubfp'] = jax.random.uniform(ks[4], (B, 881), dtype=jnp.float32)
    inp['maccsfp'] = jax.random.uniform(ks[5], (B, 166), dtype=jnp.float32)
    inp['mol_x'] = jax.random.normal(ks[6], (NM, 78), dtype=jnp.float32)
    inp['mol_edge_index'] = jax.random.randint(ks[7], (2, EM), 0, NM)
    inp['mol_batch'] = jnp.sort(jax.random.randint(ks[8], (NM,), 0, B))
    inp['pro_x'] = jax.random.normal(ks[9], (NP_, 33), dtype=jnp.float32)
    inp['pro_edge_index'] = jax.random.randint(ks[10], (2, EP), 0, NP_)
    inp['pro_batch'] = jnp.sort(jax.random.randint(ks[11], (NP_,), 0, B))
    inp['smi_m'] = jax.random.normal(ks[12], (B, 1024), dtype=jnp.float32)
    inp['seq_m'] = jax.random.normal(ks[13], (B, 1024), dtype=jnp.float32)
    inp['params'] = _params()
    return inp

def _lin(x, p): return x @ p['w'] + p['b']

def _gcn(x, ei, p):
    N = x.shape[0]
    loop = jnp.arange(N)
    src = jnp.concatenate([ei[0], loop]); dst = jnp.concatenate([ei[1], loop])
    h = x @ p['w']
    deg = jnp.zeros((N,), jnp.float32).at[dst].add(1.0)
    dinv = jax.lax.rsqrt(deg)
    norm = dinv[src] * dinv[dst]
    out = jnp.zeros_like(h).at[dst].add(norm[:, None] * h[src])
    return out + p['b']

def _gat(x, ei, p):
    N = x.shape[0]
    loop = jnp.arange(N)
    src = jnp.concatenate([ei[0], loop]); dst = jnp.concatenate([ei[1], loop])
    h = x @ p['w']
    asrc = h @ p['a_src']; adst = h @ p['a_dst']
    e = jax.nn.leaky_relu(asrc[src] + adst[dst], 0.2)
    m = jnp.full((N,), -jnp.inf, jnp.float32).at[dst].max(e)
    ee = jnp.exp(e - m[dst])
    s = jnp.zeros((N,), jnp.float32).at[dst].add(ee)
    alpha = ee / s[dst]
    out = jnp.zeros_like(h).at[dst].add(alpha[:, None] * h[src])
    return out + p['b']

def _gmp(x, b):
    s = jax.ops.segment_sum(x, b, num_segments=B)
    c = jax.ops.segment_sum(jnp.ones((x.shape[0],), jnp.float32), b, num_segments=B)
    return s / jnp.maximum(c, 1.0)[:, None]

def _ln(x, g, b):
    m = x.mean(-1, keepdims=True)
    v = ((x - m) ** 2).mean(-1, keepdims=True)
    return g * (x - m) / jnp.sqrt(v + 1e-5) + b

def _bn(x, g, b):
    m = x.mean(0)
    v = ((x - m) ** 2).mean(0)
    return g * (x - m) / jnp.sqrt(v + 1e-5) + b

def _forward(mol_x, pro_x, e3fp, ergfp, pubfp, maccsfp, smi_m, seq_m, params, smiles, sequence, mol_ei, mol_b, pro_ei, pro_b):
    r = jax.nn.relu; p = params
    x1 = r(_gcn(mol_x, mol_ei, p['mol_c1']))
    x2 = r(_gat(jnp.concatenate([x1, mol_x], 1), mol_ei, p['mol_c2']))
    x3 = r(_gat(jnp.concatenate([x1, mol_x, x2], 1), mol_ei, p['mol_c3']))
    mg = _lin(r(_lin(_gmp(x3, mol_b), p['mol_fc1'])), p['mol_fc2'])
    y1 = r(_gcn(pro_x, pro_ei, p['pro_c1']))
    y2 = r(_gat(jnp.concatenate([y1, pro_x], 1), pro_ei, p['pro_c2']))
    y3 = r(_gat(jnp.concatenate([y1, pro_x, y2], 1), pro_ei, p['pro_c3']))
    pg = _lin(r(_lin(_gmp(y3, pro_b), p['pro_fc1'])), p['pro_fc2'])
    sm = _lin(jnp.take(p['sm_emb'], smiles, axis=0).mean(1), p['sm_fc'])
    se = _lin(jnp.take(p['se_emb'], sequence, axis=0).mean(1), p['se_fc'])
    feats = {'mol_graph': mg, 'pro_graph': pg, 'smiles_seq': sm, 'protein_seq': se,
             'smi_m': _lin(smi_m, p['q_fc']), 'seq_m': _lin(seq_m, p['d_fc']),
             'e3fp': _lin(e3fp, p['f1']), 'ergfp': _lin(ergfp, p['f2']),
             'pubfp': _lin(pubfp, p['f3']), 'maccsfp': _lin(maccsfp, p['f4'])}
    names = ['mol_graph','pro_graph','smiles_seq','protein_seq','smi_m','seq_m','e3fp','ergfp','pubfp','maccsfp']
    tr = {n: _ln(r(_lin(feats[n], p['ft'][n])), p['ft'][n]['g'], p['ft'][n]['be']) for n in names}
    gw = jnp.concatenate([jax.nn.sigmoid(_lin(tr[n], p['gate'][n])) for n in names], 1)
    gw = jax.nn.softmax(gw, axis=1)
    fused = jnp.concatenate([gw[:, i:i + 1] * tr[n] for i, n in enumerate(names)], 1)
    fused = _lin(r(_lin(fused, p['op1'])), p['op2'])
    xc = r(_bn(_lin(fused, p['fc1']), p['bn1']['g'], p['bn1']['be']))
    xc = r(_bn(_lin(xc, p['fc2']), p['bn2']['g'], p['bn2']['be']))
    return _bn(_lin(xc, p['out']), p['bno']['g'], p['bno']['be'])

def reference(smiles, sequence, e3fp, ergfp, pubfp, maccsfp, mol_x, mol_edge_index, mol_batch, pro_x, pro_edge_index, pro_batch, smi_m, seq_m, params):
    return _forward(mol_x, pro_x, e3fp, ergfp, pubfp, maccsfp, smi_m, seq_m, params, smiles, sequence, mol_edge_index, mol_batch, pro_edge_index, pro_batch)

if __name__ == "__main__":
    import jax
    _d = setup_inputs()
    print(jax.jit(kernel)(*tuple(_d.values())))

</pallas_src>

<mosaic_0001>
#map = affine_map<(d0, d1) -> (0, 0, 0)>
#map1 = affine_map<(d0, d1) -> (0)>
module attributes {stable_mosaic.version = 14 : i64} {
  func.func @body(%arg0: i32, %arg1: i32, %arg2: memref<32x88x64xi32, #tpu.memory_space<hbm>>, %arg3: memref<32x88x64xi32, #tpu.memory_space<hbm>>, %arg4: memref<10000xf32, #tpu.memory_space<hbm>>, %arg5: memref<10000xf32, #tpu.memory_space<hbm>>, %arg6: memref<2x16x10000xf32, #tpu.memory_space<hbm>>, %arg7: memref<8x64xi32, #tpu.memory_space<vmem>>, %arg8: memref<8x64xi32, #tpu.memory_space<vmem>>, %arg9: memref<10000xf32, #tpu.memory_space<vmem>>, %arg10: memref<88x64xf32, #tpu.memory_space<vmem>>, %arg11: memref<10000xf32, #tpu.memory_space<vmem>>, %arg12: memref<64x16xf32, #tpu.memory_space<vmem>>, %arg13: memref<8x16xf32, #tpu.memory_space<vmem>>, %arg14: memref<10112x16xf32, #tpu.memory_space<vmem_shared>>, %arg15: memref<!tpu.dma_semaphore, #tpu.memory_space<semaphore_mem>>) attributes {dimension_semantics = [#tpu.dimension_semantics<core_parallel>, #tpu.dimension_semantics<subcore_parallel>], iteration_bounds = array<i64: 2, 16>, scalar_prefetch = 0 : i64, scratch_operands = 9 : i64, tpu.core_type = #tpu.core_type<sc_vector_subcore>, window_params = [{transform_indices = #map}, {transform_indices = #map}, {transform_indices = #map1}, {transform_indices = #map1}, {transform_indices = #map}]} {
    %mul3A = arith.constant 2 : i32
    %mul3A_0 = arith.muli %arg1, %mul3A : i32
    %add3A = arith.addi %mul3A_0, %arg0 : i32
    %iota3A = tpu.iota {dimensions = array<i32: 0>} : vector<16xi32>
    %convert_element_type3A = arith.sitofp %iota3A : vector<16xi32> to vector<16xf32>
    %mul3A_1 = arith.constant 0.000000e+00 : f32
    %mul3A_2 = vector.broadcast %mul3A_1 : f32 to vector<16xf32>
    %mul3A_3 = arith.mulf %convert_element_type3A, %mul3A_2 : vector<16xf32>
    %scan3A = arith.constant 0 : i32
    %scan3A_4 = arith.constant 0 : i32
    %scan3A_5 = arith.constant 625 : i32
    %scan3A_6 = arith.addi %scan3A_4, %scan3A_5 : i32
    %scan3A_7 = arith.constant 1 : i32
    scf.for %scan3A_17 = %scan3A_4 to %scan3A_6 step %scan3A_7  : i32 {
      %mul3A_18 = arith.constant 16 : i32
      %mul3A_19 = arith.muli %scan3A_17, %mul3A_18 : i32
      %swap3A = arith.index_cast %mul3A_19 : i32 to index
      %swap3A_20 = tpu.vector_load %arg11[%swap3A] {strides = array<i32>} : memref<10000xf32, #tpu.memory_space<vmem>>, vector<16xf32>,
      tpu.vector_store %arg11[%swap3A], %mul3A_3 {strides = array<i32>} : memref<10000xf32, #tpu.memory_space<vmem>>, vector<16xf32>,
    }
    %scan3A_8 = arith.constant 625 : i32
    %mul3A_9 = arith.constant 5632 : i32
    %mul3A_10 = arith.muli %add3A, %mul3A_9 : i32
    %scan3A_11 = arith.constant 0 : i32
    %scan3A_12 = arith.constant 0 : i32
    %scan3A_13 = arith.constant 11 : i32
    %scan3A_14 = arith.addi %scan3A_12, %scan3A_13 : i32
    %scan3A_15 = arith.constant 1 : i32
    scf.for %scan3A_17 = %scan3A_12 to %scan3A_14 step %scan3A_15  : i32 {
      %mul3A_18 = arith.constant 8 : i32
      %mul3A_19 = arith.muli %scan3A_17, %mul3A_18 : i32
      "tpu.region"() ({
        %run_scoped3A = tpu.sem_alloc : memref<!tpu.dma_semaphore, #tpu.memory_space<semaphore_mem>>
        %dma_start3A = arith.constant 0 : i32
        %dma_start3A_26 = tpu.memref_slice %arg3[%add3A, %mul3A_19, %dma_start3A] : memref<32x88x64xi32, #tpu.memory_space<hbm>> -> memref<1x8x64xi32, #tpu.memory_space<hbm>>
        %dma_start3A_27 = tpu.memref_squeeze %dma_start3A_26 : memref<1x8x64xi32, #tpu.memory_space<hbm>> -> memref<8x64xi32, #tpu.memory_space<hbm>>
        %dma_start3A_28 = arith.constant 0 : i32
        %dma_start3A_29 = tpu.memref_slice %arg3[%add3A, %mul3A_19, %dma_start3A_28] : memref<32x88x64xi32, #tpu.memory_space<hbm>> -> memref<1x8x64xi32, #tpu.memory_space<hbm>>
        %dma_start3A_30 = tpu.memref_squeeze %dma_start3A_29 : memref<1x8x64xi32, #tpu.memory_space<hbm>> -> memref<8x64xi32, #tpu.memory_space<hbm>>
        tpu.enqueue_dma source(%dma_start3A_30 : memref<8x64xi32, #tpu.memory_space<hbm>>) target(%arg8 : memref<8x64xi32, #tpu.memory_space<vmem>>) target_semaphore(%run_scoped3A : memref<!tpu.dma_semaphore, #tpu.memory_space<semaphore_mem>>)
        %dma_wait3A = arith.constant 0 : i32
        %dma_wait3A_31 = tpu.memref_slice %arg3[%add3A, %mul3A_19, %dma_wait3A] : memref<32x88x64xi32, #tpu.memory_space<hbm>> -> memref<1x8x64xi32, #tpu.memory_space<hbm>>
        %dma_wait3A_32 = tpu.memref_squeeze %dma_wait3A_31 : memref<1x8x64xi32, #tpu.memory_space<hbm>> -> memref<8x64xi32, #tpu.memory_space<hbm>>
        %dma_wait3A_33 = arith.constant 0 : i32
        %dma_wait3A_34 = tpu.memref_slice %arg3[%add3A, %mul3A_19, %dma_wait3A_33] : memref<32x88x64xi32, #tpu.memory_space<hbm>> -> memref<1x8x64xi32, #tpu.memory_space<hbm>>
        %dma_wait3A_35 = tpu.memref_squeeze %dma_wait3A_34 : memref<1x8x64xi32, #tpu.memory_space<hbm>> -> memref<8x64xi32, #tpu.memory_space<hbm>>
        tpu.wait_dma2 semaphore(%run_scoped3A : memref<!tpu.dma_semaphore, #tpu.memory_space<semaphore_mem>>) src(%dma_wait3A_35 : memref<8x64xi32, #tpu.memory_space<hbm>>) dst(%arg8 : memref<8x64xi32, #tpu.memory_space<vmem>>)
        tpu.yield
      }) : () -> ()
      %scan3A_20 = arith.constant 0 : i32
      %scan3A_21 = arith.constant 0 : i32
      %scan3A_22 = arith.constant 8 : i32
      %scan3A_23 = arith.addi %scan3A_21, %scan3A_22 : i32
      %scan3A_24 = arith.constant 1 : i32
      scf.for %scan3A_26 = %scan3A_21 to %scan3A_23 step %scan3A_24  : i32 {
        %mul3A_27 = arith.constant 8 : i32
        %mul3A_28 = arith.muli %scan3A_17, %mul3A_27 : i32
        %add3A_29 = arith.addi %mul3A_28, %scan3A_26 : i32
        %mul3A_30 = arith.constant 64 : i32
        %mul3A_31 = arith.muli %add3A_29, %mul3A_30 : i32
        %add3A_32 = arith.addi %mul3A_10, %mul3A_31 : i32
        %add3A_33 = arith.constant 0 : i32
        %add3A_34 = arith.addi %add3A_32, %add3A_33 : i32
        %add3A_35 = vector.broadcast %add3A_34 : i32 to vector<16xi32>
        %add3A_36 = arith.addi %add3A_35, %iota3A : vector<16xi32>
        %lt3A = arith.constant 170000 : i32
        %lt3A_37 = vector.broadcast %lt3A : i32 to vector<16xi32>
        %lt3A_38 = arith.cmpi slt, %add3A_36, %lt3A_37 : vector<16xi32>
        %jit3A = arith.constant 1.000000e+00 : f32
        %jit3A_39 = arith.constant 0.000000e+00 : f32
        %broadcast_in_dim3A = vector.broadcast %jit3A : f32 to vector<16xf32>
        %broadcast_in_dim3A_40 = vector.broadcast %jit3A_39 : f32 to vector<16xf32>
        %select_n3A = arith.select %lt3A_38, %broadcast_in_dim3A, %broadcast_in_dim3A_40 : vector<16xi1>, vector<16xf32>
        %get3A = arith.index_cast %scan3A_26 : i32 to index
        %get3A_41 = arith.constant 0 : index
        %get3A_42 = tpu.vector_load %arg8[%get3A, %get3A_41] {strides = array<i32>} : memref<8x64xi32, #tpu.memory_space<vmem>>, vector<16xi32>,
        tpu.vector_store_idx %arg11[%get3A_42], %select_n3A {add = true} : memref<10000xf32, #tpu.memory_space<vmem>>[vector<16xi32>], vector<16xf32>,
        %mul3A_43 = arith.constant 8 : i32
        %mul3A_44 = arith.muli %scan3A_17, %mul3A_43 : i32
        %add3A_45 = arith.addi %mul3A_44, %scan3A_26 : i32
        %mul3A_46 = arith.constant 64 : i32
        %mul3A_47 = arith.muli %add3A_45, %mul3A_46 : i32
        %add3A_48 = arith.addi %mul3A_10, %mul3A_47 : i32
        %add3A_49 = arith.constant 16 : i32
        %add3A_50 = arith.addi %add3A_48, %add3A_49 : i32
        %add3A_51 = vector.broadcast %add3A_50 : i32 to vector<16xi32>
        %add3A_52 = arith.addi %add3A_51, %iota3A : vector<16xi32>
        %lt3A_53 = arith.constant 170000 : i32
        %lt3A_54 = vector.broadcast %lt3A_53 : i32 to vector<16xi32>
        %lt3A_55 = arith.cmpi slt, %add3A_52, %lt3A_54 : vector<16xi32>
        %jit3A_56 = arith.constant 1.000000e+00 : f32
        %jit3A_57 = arith.constant 0.000000e+00 : f32
        %broadcast_in_dim3A_58 = vector.broadcast %jit3A_56 : f32 to vector<16xf32>
        %broadcast_in_dim3A_59 = vector.broadcast %jit3A_57 : f32 to vector<16xf32>
        %select_n3A_60 = arith.select %lt3A_55, %broadcast_in_dim3A_58, %broadcast_in_dim3A_59 : vector<16xi1>, vector<16xf32>
        %get3A_61 = arith.index_cast %scan3A_26 : i32 to index
        %get3A_62 = arith.constant 16 : index
        %get3A_63 = tpu.vector_load %arg8[%get3A_61, %get3A_62] {strides = array<i32>} : memref<8x64xi32, #tpu.memory_space<vmem>>, vector<16xi32>,
        tpu.vector_store_idx %arg11[%get3A_63], %select_n3A_60 {add = true} : memref<10000xf32, #tpu.memory_space<vmem>>[vector<16xi32>], vector<16xf32>,
        %mul3A_64 = arith.constant 8 : i32
        %mul3A_65 = arith.muli %scan3A_17, %mul3A_64 : i32
        %add3A_66 = arith.addi %mul3A_65, %scan3A_26 : i32
        %mul3A_67 = arith.constant 64 : i32
        %mul3A_68 = arith.muli %add3A_66, %mul3A_67 : i32
        %add3A_69 = arith.addi %mul3A_10, %mul3A_68 : i32
        %add3A_70 = arith.constant 32 : i32
        %add3A_71 = arith.addi %add3A_69, %add3A_70 : i32
        %add3A_72 = vector.broadcast %add3A_71 : i32 to vector<16xi32>
        %add3A_73 = arith.addi %add3A_72, %iota3A : vector<16xi32>
        %lt3A_74 = arith.constant 170000 : i32
        %lt3A_75 = vector.broadcast %lt3A_74 : i32 to vector<16xi32>
        %lt3A_76 = arith.cmpi slt, %add3A_73, %lt3A_75 : vector<16xi32>
        %jit3A_77 = arith.constant 1.000000e+00 : f32
        %jit3A_78 = arith.constant 0.000000e+00 : f32
        %broadcast_in_dim3A_79 = vector.broadcast %jit3A_77 : f32 to vector<16xf32>
        %broadcast_in_dim3A_80 = vector.broadcast %jit3A_78 : f32 to vector<16xf32>
        %select_n3A_81 = arith.select %lt3A_76, %broadcast_in_dim3A_79, %broadcast_in_dim3A_80 : vector<16xi1>, vector<16xf32>
        %get3A_82 = arith.index_cast %scan3A_26 : i32 to index
        %get3A_83 = arith.constant 32 : index
        %get3A_84 = tpu.vector_load %arg8[%get3A_82, %get3A_83] {strides = array<i32>} : memref<8x64xi32, #tpu.memory_space<vmem>>, vector<16xi32>,
        tpu.vector_store_idx %arg11[%get3A_84], %select_n3A_81 {add = true} : memref<10000xf32, #tpu.memory_space<vmem>>[vector<16xi32>], vector<16xf32>,
        %mul3A_85 = arith.constant 8 : i32
        %mul3A_86 = arith.muli %scan3A_17, %mul3A_85 : i32
        %add3A_87 = arith.addi %mul3A_86, %scan3A_26 : i32
        %mul3A_88 = arith.constant 64 : i32
        %mul3A_89 = arith.muli %add3A_87, %mul3A_88 : i32
        %add3A_90 = arith.addi %mul3A_10, %mul3A_89 : i32
        %add3A_91 = arith.constant 48 : i32
        %add3A_92 = arith.addi %add3A_90, %add3A_91 : i32
        %add3A_93 = vector.broadcast %add3A_92 : i32 to vector<16xi32>
        %add3A_94 = arith.addi %add3A_93, %iota3A : vector<16xi32>
        %lt3A_95 = arith.constant 170000 : i32
        %lt3A_96 = vector.broadcast %lt3A_95 : i32 to vector<16xi32>
        %lt3A_97 = arith.cmpi slt, %add3A_94, %lt3A_96 : vector<16xi32>
        %jit3A_98 = arith.constant 1.000000e+00 : f32
        %jit3A_99 = arith.constant 0.000000e+00 : f32
        %broadcast_in_dim3A_100 = vector.broadcast %jit3A_98 : f32 to vector<16xf32>
        %broadcast_in_dim3A_101 = vector.broadcast %jit3A_99 : f32 to vector<16xf32>
        %select_n3A_102 = arith.select %lt3A_97, %broadcast_in_dim3A_100, %broadcast_in_dim3A_101 : vector<16xi1>, vector<16xf32>
        %get3A_103 = arith.index_cast %scan3A_26 : i32 to index
        %get3A_104 = arith.constant 48 : index
        %get3A_105 = tpu.vector_load %arg8[%get3A_103, %get3A_104] {strides = array<i32>} : memref<8x64xi32, #tpu.memory_space<vmem>>, vector<16xi32>,
        tpu.vector_store_idx %arg11[%get3A_105], %select_n3A_102 {add = true} : memref<10000xf32, #tpu.memory_space<vmem>>[vector<16xi32>], vector<16xf32>,
      }
      %scan3A_25 = arith.constant 8 : i32
    }
    %scan3A_16 = arith.constant 11 : i32
    "tpu.region"() ({
      %run_scoped3A = tpu.sem_alloc : memref<!tpu.dma_semaphore, #tpu.memory_space<semaphore_mem>>
      %dma_start3A = arith.constant 0 : i32
      %dma_start3A_17 = arith.constant 0 : i32
      %dma_start3A_18 = tpu.memref_slice %arg6[%arg0, %dma_start3A, %dma_start3A_17] : memref<2x16x10000xf32, #tpu.memory_space<hbm>> -> memref<1x16x10000xf32, #tpu.memory_space<hbm>>
      %dma_start3A_19 = tpu.memref_squeeze %dma_start3A_18 : memref<1x16x10000xf32, #tpu.memory_space<hbm>> -> memref<16x10000xf32, #tpu.memory_space<hbm>>
      %dma_start3A_20 = arith.constant 0 : i32
      %dma_start3A_21 = tpu.memref_slice %dma_start3A_19[%arg1, %dma_start3A_20] : memref<16x10000xf32, #tpu.memory_space<hbm>> -> memref<1x10000xf32, #tpu.memory_space<hbm>>
      %dma_start3A_22 = tpu.memref_squeeze %dma_start3A_21 : memref<1x10000xf32, #tpu.memory_space<hbm>> -> memref<10000xf32, #tpu.memory_space<hbm>>
      %dma_start3A_23 = arith.constant 0 : i32
      %dma_start3A_24 = arith.constant 0 : i32
      %dma_start3A_25 = tpu.memref_slice %arg6[%arg0, %dma_start3A_23, %dma_start3A_24] : memref<2x16x10000xf32, #tpu.memory_space<hbm>> -> memref<1x16x10000xf32, #tpu.memory_space<hbm>>
      %dma_start3A_26 = tpu.memref_squeeze %dma_start3A_25 : memref<1x16x10000xf32, #tpu.memory_space<hbm>> -> memref<16x10000xf32, #tpu.memory_space<hbm>>
      %dma_start3A_27 = arith.constant 0 : i32
      %dma_start3A_28 = tpu.memref_slice %dma_start3A_26[%arg1, %dma_start3A_27] : memref<16x10000xf32, #tpu.memory_space<hbm>> -> memref<1x10000xf32, #tpu.memory_space<hbm>>
      %dma_start3A_29 = tpu.memref_squeeze %dma_start3A_28 : memref<1x10000xf32, #tpu.memory_space<hbm>> -> memref<10000xf32, #tpu.memory_space<hbm>>
      tpu.enqueue_dma source(%arg11 : memref<10000xf32, #tpu.memory_space<vmem>>) target(%dma_start3A_29 : memref<10000xf32, #tpu.memory_space<hbm>>) target_semaphore(%run_scoped3A : memref<!tpu.dma_semaphore, #tpu.memory_space<semaphore_mem>>)
      %dma_wait3A = arith.constant 0 : i32
      %dma_wait3A_30 = arith.constant 0 : i32
      %dma_wait3A_31 = tpu.memref_slice %arg6[%arg0, %dma_wait3A, %dma_wait3A_30] : memref<2x16x10000xf32, #tpu.memory_space<hbm>> -> memref<1x16x10000xf32, #tpu.memory_space<hbm>>
      %dma_wait3A_32 = tpu.memref_squeeze %dma_wait3A_31 : memref<1x16x10000xf32, #tpu.memory_space<hbm>> -> memref<16x10000xf32, #tpu.memory_space<hbm>>
      %dma_wait3A_33 = arith.constant 0 : i32
      %dma_wait3A_34 = tpu.memref_slice %dma_wait3A_32[%arg1, %dma_wait3A_33] : memref<16x10000xf32, #tpu.memory_space<hbm>> -> memref<1x10000xf32, #tpu.memory_space<hbm>>
      %dma_wait3A_35 = tpu.memref_squeeze %dma_wait3A_34 : memref<1x10000xf32, #tpu.memory_space<hbm>> -> memref<10000xf32, #tpu.memory_space<hbm>>
      %dma_wait3A_36 = arith.constant 0 : i32
      %dma_wait3A_37 = arith.constant 0 : i32
      %dma_wait3A_38 = tpu.memref_slice %arg6[%arg0, %dma_wait3A_36, %dma_wait3A_37] : memref<2x16x10000xf32, #tpu.memory_space<hbm>> -> memref<1x16x10000xf32, #tpu.memory_space<hbm>>
      %dma_wait3A_39 = tpu.memref_squeeze %dma_wait3A_38 : memref<1x16x10000xf32, #tpu.memory_space<hbm>> -> memref<16x10000xf32, #tpu.memory_space<hbm>>
      %dma_wait3A_40 = arith.constant 0 : i32
      %dma_wait3A_41 = tpu.memref_slice %dma_wait3A_39[%arg1, %dma_wait3A_40] : memref<16x10000xf32, #tpu.memory_space<hbm>> -> memref<1x10000xf32, #tpu.memory_space<hbm>>
      %dma_wait3A_42 = tpu.memref_squeeze %dma_wait3A_41 : memref<1x10000xf32, #tpu.memory_space<hbm>> -> memref<10000xf32, #tpu.memory_space<hbm>>
      tpu.wait_dma2 semaphore(%run_scoped3A : memref<!tpu.dma_semaphore, #tpu.memory_space<semaphore_mem>>) src(%arg11 : memref<10000xf32, #tpu.memory_space<vmem>>) dst(%dma_wait3A_42 : memref<10000xf32, #tpu.memory_space<hbm>>)
      tpu.yield
    }) : () -> ()
    return
  }
}

</mosaic_0001>

<sc_bundles>
// kernel: _sc_edges.3.cloned.1.call-start
scs
__scs_entry_jumppad:
0x0: {  	(pc) =	sbr.rel $0x88, $3  }
0x1: {  	(tag) =	ssettag $0x0;
	lr =	simm.s32 $0x1  }
0x2: {  	[smem:$0x3F9D] =	sst lr;
	_ =	strace $0xD0000000  }
0x3: {  	_ = 	snop  }
0x4: {  	_ = 	snop  }
0x5: {  	_ = 	snop  }
0x6: {  	_ = 	snop  }
0x7: {  	_ = 	snop  }
__scs_overlays_trampoline_lowered:
0x8: {  	[smem:$0x3FAC] =	sst s0  }
0x9: {  	[smem:$0x3FAD] =	sst s1  }
0xa: {  	[smem:$0x3FAE] =	sst s2  }
0xb: {  	[smem:$0x3FAF] =	sst s3  }
0xc: {  	[smem:$0x3FB0] =	sst s4  }
0xd: {  	[smem:$0x3FB1] =	sst s5  }
0xe: {  	[smem:$0x3FB2] =	sst s6  }
0xf: {  	[smem:$0x3FB3] =	sst s7  }
0x10: {  	[smem:$0x3FB4] =	sst s8  }
0x11: {  	[smem:$0x3FB5] =	sst s9;
	s0 =	simm.s32 @!p0 $0x0  }
0x12: {  	s1 =	sld [smem:$0x3F9B];
	s0 =	simm.s32 @p0 $0x1  }
0x13: {  	[smem:$0x3FB6] =	sst s0;
	s0 =	simm.s32 @!p1 $0x0  }
0x14: {  	s2 =	sld [smem:$0x3F9A];
	s0 =	simm.s32 @p1 $0x1  }
0x15: {  	[smem:$0x3FB7] =	sst s0;
	s0 =	simm.s32 @!p2 $0x0  }
0x16: {  	s3 =	sld [smem:$0x3FDB];
	s0 =	simm.s32 @p2 $0x1  }
0x17: {  	s4 =	simm.s32 $0x1BF5;
	[smem:$0x3FB9] =	sst s0  }
0x18: {  	s0 =	sld [smem:$0x3F9C];
	_ =	swait.ge [sflag:s4], $0x0  }
0x19: {  	s7 =	sld [smem:$0x3F9D]  }
0x1a: {  	s8 =	sadd.s32 $0xFFFFE003, lr  }
0x1b: {  	s9 =	sadd.s32 $0xFFFFFEF7, lr;
	s5 =	simm.s32 $0xFFFFFFFF;
	p2 =	slt.u32 s8, $0xFFFFF086  }
0x1c: {  	p1 =	slt.u32 s9, $0xF7A;
	s5 =	simm.s32 @!p2 $0x0  }
0x1d: {  	s5 =	simm.s32 @p1 $0x1;
	p0 =	seq.s32 s7, s2  }
0x1e: {  	s7 =	smul.u32 @!p0 $0xF7A, s2;
	p2 =	seq.s32 @!p0 s5, $0x0  }
0x1f: {  	s9 =	smul.u32 $0xF7A, s1;
	s8 =	simm.s32 @!p0 $0x1BF5;
	p2 =	por !p2, p0  }
0x20: {  	[sflag:s8] =	ssyncset.s32 @!p0 $0xFFFFF086;
	s6 =	sadd.s32 @!p0 s3, s7;
	s7 =	simm.s32 @!p0 $0x108  }
0x21: {  	s3 =	sadd.s32 s3, s9;
	s6 =	sadd.s32 @!p0 $0x88, s6;
	s7 =	simm.s32 @p2 $0x1082  }
0x22: {  	[simem:s7], [sflag:s8] =	dma.local @!p0 [hbm:s6], $0xF7A  }
0x23: {  	s9 =	sor.u32 $0xD0000000, s2;
	s6 =	simm.s32 $0x108;
	_ =	swait.ge @!p0 [sflag:s8], $0x0  }
0x24: {  	s3 =	sadd.s32 $0x88, s3;
	s6 =	simm.s32 @!p1 $0x1082;
	[sflag:s4] =	ssyncset.s32 $0xFFFFF086  }
0x25: {  	[simem:s6], [sflag:s4] =	dma.local [hbm:s3], $0xF7A  }
0x26: {  	[smem:$0x3F9D] =	sst s1;
	(tag) =	ssettag s2;
	_ =	strace s9  }
0x27: {  	s1 =	sld [smem:$0x3FAD]  }
0x28: {  	s2 =	sld [smem:$0x3FAE]  }
0x29: {  	s4 =	sld [smem:$0x3FB0]  }
0x2a: {  	p0 =	seq.s32 s5, $0x0;
	s5 =	sld [smem:$0x3FB1]  }
0x2b: {  	s6 =	sld [smem:$0x3FB2]  }
0x2c: {  	s7 =	sld [smem:$0x3FB3]  }
0x2d: {  	s3 =	simm.s32 $0x108;
	s8 =	sld [smem:$0x3FB4]  }
0x2e: {  	s3 =	simm.s32 @!p0 $0x1082;
	s9 =	sld [smem:$0x3FB5]  }
0x2f: {  	lr =	sadd.s32 s0, s3;
	s0 =	sld [smem:$0x3FAC]  }
0x30: {  	s3 =	sld [smem:$0x3FAF]  }
0x31: {  	[smem:$0x3FB8] =	sst s10  }
0x32: {  	s10 =	sld [smem:$0x3FB6];
	_ =	sdelay $0x3  }
0x33: {  	p0 =	seq.s32 s10, $0x1;
	s10 =	sld [smem:$0x3FB8];
	_ =	sdelay $0x3  }
0x34: {  	[smem:$0x3FB8] =	sst s10  }
0x35: {  	s10 =	sld [smem:$0x3FB7];
	_ =	sdelay $0x3  }
0x36: {  	p1 =	seq.s32 s10, $0x1;
	s10 =	sld [smem:$0x3FB8];
	_ =	sdelay $0x3  }
0x37: {  	[smem:$0x3FB8] =	sst s10  }
0x38: {  	s10 =	sld [smem:$0x3FB9]  }
0x39: {  	_ = 	snop;
	(pc) =	sbr.ind lr, $3  }
0x3a: {  	_ = 	snop  }
0x3b: {  	_ = 	snop  }
0x3c: {  	p2 =	seq.s32 s10, $0x1;
	s10 =	sld [smem:$0x3FB8]  }
0x3d: {  	_ =	shalt  }
0x3e: {  	_ =	shalt  }
0x3f: {  	_ =	shalt  }
0x40: {  	_ =	shalt  }
0x41: {  	_ =	shalt  }
0x42: {  	_ =	shalt  }
0x43: {  	_ =	shalt  }
0x44: {  	_ =	shalt  }
0x45: {  	_ =	shalt  }
0x46: {  	_ =	shalt  }
0x47: {  	_ =	shalt  }
0x48: {  	_ =	shalt  }
0x49: {  	_ =	shalt  }
0x4a: {  	_ =	shalt  }
0x4b: {  	_ =	shalt  }
0x4c: {  	_ =	shalt  }
0x4d: {  	_ =	shalt  }
0x4e: {  	_ =	shalt  }
0x4f: {  	_ =	shalt  }
0x50: {  	_ =	shalt  }
0x51: {  	_ =	shalt  }
0x52: {  	_ =	shalt  }
0x53: {  	_ =	shalt  }
0x54: {  	_ =	shalt  }
0x55: {  	_ =	shalt  }
0x56: {  	_ =	shalt  }
0x57: {  	_ =	shalt  }
0x58: {  	_ =	shalt  }
0x59: {  	_ =	shalt  }
0x5a: {  	_ =	shalt  }
0x5b: {  	_ =	shalt  }
0x5c: {  	_ =	shalt  }
0x5d: {  	_ =	shalt  }
0x5e: {  	_ =	shalt  }
0x5f: {  	_ =	shalt  }
0x60: {  	_ =	shalt  }
0x61: {  	_ =	shalt  }
0x62: {  	_ =	shalt  }
0x63: {  	_ =	shalt  }
0x64: {  	_ =	shalt  }
0x65: {  	_ =	shalt  }
0x66: {  	_ =	shalt  }
0x67: {  	_ =	shalt  }
0x68: {  	_ =	shalt  }
0x69: {  	_ =	shalt  }
0x6a: {  	_ =	shalt  }
0x6b: {  	_ =	shalt  }
0x6c: {  	_ =	shalt  }
0x6d: {  	_ =	shalt  }
0x6e: {  	_ =	shalt  }
0x6f: {  	_ =	shalt  }
0x70: {  	_ =	shalt  }
0x71: {  	_ =	shalt  }
0x72: {  	_ =	shalt  }
0x73: {  	_ =	shalt  }
0x74: {  	_ =	shalt  }
0x75: {  	_ =	shalt  }
0x76: {  	_ =	shalt  }
0x77: {  	_ =	shalt  }
0x78: {  	_ =	shalt  }
0x79: {  	_ =	shalt  }
0x7a: {  	_ =	shalt  }
0x7b: {  	_ =	shalt  }
0x7c: {  	_ =	shalt  }
0x7d: {  	_ =	shalt  }
0x7e: {  	_ =	shalt  }
0x7f: {  	_ =	shalt  }
0x80: {  	_ =	shalt  }
0x81: {  	_ =	shalt  }
0x82: {  	_ =	shalt  }
0x83: {  	_ =	shalt  }
0x84: {  	_ =	shalt  }
0x85: {  	_ =	shalt  }
0x86: {  	_ =	shalt  }
0x87: {  	_ =	shalt  }
.Lfunc_end0:
.L_simem_size_0:
called_computation_lowered:
.L_overlay_start_0:
0x88: {  	s2 =	sld [smem:$0x3FD9]  }
0x89: {  	s3 =	sld [smem:$0x3FFE];
	_ =	sdelay $0x1  }
0x8a: {  	s1 =	srdreg.scid  }
0x8b: {  	s0 =	sand.u32 $0x1, s1  }
0x8c: {  	s17 =	sshll.u32 s0, $0xA;
	s2 =	sadd.s32 s3, s2  }
0x8d: {  	s2 =	sadd.s32 s2, s17  }
0x8e: {  	[smem:$0x3FC4] =	sst s2  }
0x8f: {  	_ = 	snop  }
0x90: {  	s2 =	sld [smem:$0x3FD0];
	(tm) =	ssettm $0x1  }
0x91: {  	s18 =	sld [smem:$0x3FFB];
	_ =	sdelay $0x3  }
0x92: {  	_ =	strace s18  }
0x93: {  	s3 =	sld [smem:$0x3FFC];
	_ =	sdelay $0x3  }
0x94: {  	_ =	strace s3  }
0x95: {  	s3 =	sld [smem:$0x3FFD];
	_ =	sdelay $0x3  }
0x96: {  	_ =	strace s3  }
0x97: {  	_ =	strace $0x8FFFFFFF  }
0x98: {  	s19 =	sld [smem:$0x3FDB];
	_ =	sdelay $0x1  }
0x99: {  	s4 =	simm.s32 $_scs_section_size  }
0x9a: {  	s5 =	simm.s32 $_size__tile_overlayer_lowered;
	s6 =	simm.s32 $_tile_overlayer_lowered  }
0x9b: {  	s22 =	simm.s32 $0x1BFF;
	s21 =	sshll.u32 s6, $0x1;
	s3 =	sadd.s32 s4, s19  }
0x9c: {  	s7 =	simm.s32 $0x0;
	s20 =	sshll.u32 s5, $0x1;
	s5 =	sadd.s32 s21, s3  }
0x9d: {  	[timem:s7], [sflag:s22] =	dma.local [hbm:s5], s20  }
0x9e: {  	_ =	swait.ge [sflag:s22], s20  }
0x9f: {  	s4 =	ssub.s32 $0x0, s20;
	[sflag:s22] =	ssyncset.done $0x0  }
0xa0: {  	[sflag:s22] =	ssyncadd.s32 s4;
	_ =	sdelay $0x1  }
0xa1: {  	s23 =	simm.s32 $0x1B8B  }
0xa2: {  	_ =	swait.ge [sflag:s23], $0x1  }
0xa3: {  	[sflag:s23] =	ssyncset.done $0x0  }
0xa4: {  	s25 =	simm.s32 $0x1B8E;
	s24 =	sld [smem:$0x3FFE];
	[sflag:s23] =	ssyncadd.s32 $0xFFFFFFFF  }
0xa5: {  	s26 =	simm.s32 $execute0_lowered;
	[smem:$0x3FD2] =	sst s25  }
0xa6: {  	s5 =	sshll.u32 s26, $0x1;
	_ =	strace $0x80000046;
	[dreg:$0x1] =	wrdreg $0xFFFFFFFF  }
0xa7: {  	s28 =	simm.s32 $_size_execute0_lowered;
	s3 =	sadd.s32 s3, s5;
	[dreg:$0x0] =	wrdreg $0x0  }
0xa8: {  	s5 =	sshll.u32 s28, $0x1;
	[dreg:$0x2] =	wrdreg s3  }
0xa9: {  	[dreg:$0x3] =	wrdreg s5  }
0xaa: {  	[dreg:$0x4] =	wrdreg $0xC0  }
0xab: {  	_ =	task [dreg:s7], $0x5FFFF  }
0xac: {  	[dreg:$0x1] =	wrdreg $0xFFFFFFFF  }
0xad: {  	[dreg:$0x0] =	wrdreg $0x60  }
0xae: {  	[dreg:$0x2] =	wrdreg s24  }
0xaf: {  	[dreg:$0x3] =	wrdreg s2  }
0xb0: {  	[dreg:$0x4] =	wrdreg $0x9  }
0xb1: {  	_ =	task.clear_ibuf [dreg:s7], $0x5FFFF;
	_ =	strace $0x90000046  }
0xb2: {  	s29 =	simm.s32 $0x9;
	_ =	strace $0x80000048  }
0xb3: {  	_ =	swait.ge [sflag:s29], $0x1  }
0xb4: {  	[sflag:s29] =	ssyncadd.s32 $0xFFFFFFFF  }
0xb5: {  	_ =	strace $0x90000048  }
0xb6: {  	_ =	sfence  }
0xb7: {  	s30 =	sld [smem:$0x0];
	_ =	sdelay $0x2  }
0xb8: {  	s31 =	sshll.u32 s1, $0xD;
	s1 =	sshrl.u32 s1, $0x2  }
0xb9: {  	s3 =	sand.u32 $0x4000, s31;
	s1 =	sadd.s32 s1, s30  }
0xba: {  	s0 =	sor.u32 s3, s0;
	s1 =	sshll.u32 s1, $0x11  }
0xbb: {  	s0 =	sor.u32 s1, s0  }
0xbc: {  	s0 =	sadd.s32 $0x8F2B, s0  }
0xbd: {  	[sflag:s0] =	ssyncadd.remote.s32 $0x1  }
0xbe: {  	_ =	sfence.sel $0xFFFF  }
0xbf: {  	[dreg:$0x0] =	wrdreg $0xFFFFFFFF;
	(pc) =	sbr.abs _section_cstart, $3  }
0xc0: {  	[dreg:$0x1] =	wrdreg $0xFFFFFFFF  }
0xc1: {  	_ =	task.clear_ibuf [dreg:s7], $0x2FFFF;
	_ =	strace $0x9FFFFFFF  }
0xc2: {  	(tm) =	ssettm $0x7FFFFFFF  }
0xc3: {  	_ =	shalt  }
tec
execute0_lowered:
.L_overlay_start_1:
0x0: {  	(tag) =	ssettag $0x1  }
0x1: {  	s3 =	rddreg [dreg:$0x0]  }
0x2: {  	s5 =	rddreg [dreg:$0x1]  }
0x3: {  	s0 =	rddreg [dreg:$0x2];
	s2 =	simm.s32 $0x0;
	s4 =	srdreg.scid  }
0x4: {  	s1 =	stileid.u32;
	[smem:$0x7FF] =	sst s2;
	s4 =	sand.u32 $0x1, s4  }
0x5: {  	s7 =	sshrl.u32 s1, $0x3;
	s9 =	sshll.u32 s1, $0x7;
	s30 =	smul.u32 $0x2C00, s1  }
0x6: {  	s10 =	sshll.u32 s1, $0x1;
	s3 =	sadd.s32 $0xB600, s3;
	s7 =	smul.u32 $0x13C00, s7  }
0x7: {  	_ =	strace $0x80000047;
	s6 =	ssub.s32 $0x2, s4;
	s29 =	smul.u32 $0x4F00, s4  }
0x8: {  	s9 =	sand.u32 $0x380, s9;
	s10 =	sor.u32 s4, s10;
	s11 =	smul.u32 $0x1600, s4  }
0x9: {  	s8 =	sshrl.u32 s6, $0x1;
	s4 =	smul.u32 $0x2C00, s10;
	s10 =	simm.s32 $0x80  }
0xa: {  	s6 =	ssub.s32 s6, s8;
	s7 =	sor.u32 s9, s7;
	s31 =	sadd.s32 s5, s29  }
0xb: {  	s8 =	simm.s32 $0x400;
	s12 =	sshrl.u32 s7, $0x3;
	s5 =	smax.u32 s6, $0x1  }
0xc: {  	v0 =	vimm.f32 $0.0e+00;
	v1 =	vimm.f32 $1.000000000e+00;
	s6 =	sadd.s32 s11, s30;
	s7 =	simm.s32 $0x1;
	s9 =	sadd.s32 s12, s31  }
.LBB2_1:
0xd: {  	s11 =	simm.s32 $0x40;
	s12 =	simm.s32 $0x0  }
.LBB2_2:
0xe: {  	p0 =	sne.s32 s11, $0x9C00;
	[tilespmem:s12+$0x400] =	vst v0;
	s12 =	smov.u32 s11;
	s11 =	sadd.s32 $0x40, s11  }
.Ltmp0:
0xf: {  	(pc) =	sbr.rel @p0 .LBB2_2-.Ltmp0, $2  }
0x10: {  	_ =	sdelay $0x2  }
0x11: {  	s12 =	sshra.s32 s12, $0x2  }
0x12: {  	[tilespmem:s12+$0x400] =	vst v0;
	s11 =	simm.s32 $0x0;
	s12 =	smov.u32 s6;
	s13 =	simm.s32 $0x0  }
.LBB2_4:
0x13: {  	s14 =	sshll.u32 s13, $0xA  }
0x14: {  	s14 =	sadd.s32 s4, s14  }
0x15: {  	s14 =	sshrl.u32 s14, $0x3  }
0x16: {  	s14 =	sadd.s32 s3, s14  }
0x17: {  	[tilespmem:s11], [sflag:$0x1] =	stream.linear.gather [hbm4b:s14+s11], $0x400, $0x38;
	[tilespmem:$0x2B80] =	vst v63  }
0x18: {  	_ =	swait.ge [sflag:s7], $0x400  }
0x19: {  	[sflag:s7] =	ssyncset.done $0x0  }
0x1a: {  	s15 =	simm.s32 $0x0;
	s14 =	simm.s32 $0x20;
	[sflag:s7] =	ssyncadd.s32 $0xFFFFFC00  }
.LBB2_5:
0x1b: {  	v2 =	vld [tilespmem:s14+$0xFFFFFFE0];
	_ =	sdelay $0x4  }
0x1c: {  	s16 =	sadd.s32 s15, s12  }
0x1d: {  	p0 =	slt.u32 s16, $0x29810  }
0x1e: {  	v3 =	vpsel !p0, $0x0, v1  }
0x1f: {  	[tilespmem:v2+s8+$0x0] =	vst.idx.add.f32.msk $0xffff, v3  }
0x20: {  	v2 =	vld [tilespmem:s14+$0xFFFFFFF0];
	_ =	sdelay $0x4  }
0x21: {  	s17 =	sadd.s32 $0x10, s16  }
0x22: {  	p4 =	slt.u32 s17, $0x29810  }
0x23: {  	v3 =	vpsel !p4, $0x0, v1  }
0x24: {  	[tilespmem:v2+s8+$0x0] =	vst.idx.add.f32.msk $0xffff, v3  }
0x25: {  	v2 =	vld [tilespmem:s14+$0x0];
	_ =	sdelay $0x4  }
0x26: {  	s31 =	sadd.s32 $0x20, s16  }
0x27: {  	p5 =	slt.u32 s31, $0x29810  }
0x28: {  	v3 =	vpsel !p5, $0x0, v1  }
0x29: {  	[tilespmem:v2+s8+$0x0] =	vst.idx.add.f32.msk $0xffff, v3  }
0x2a: {  	v2 =	vld [tilespmem:s14+$0x10];
	_ =	sdelay $0x2  }
0x2b: {  	p0 =	sne.s32 s15, $0x1C0  }
.Ltmp1:
0x2c: {  	_ = 	snop;
	(pc) =	sbr.rel @p0 .LBB2_5-.Ltmp1, $4  }
0x2d: {  	s16 =	sadd.s32 $0x30, s16  }
0x2e: {  	p6 =	slt.u32 s16, $0x29810  }
0x2f: {  	v3 =	vpsel !p6, $0x0, v1  }
0x30: {  	s15 =	sadd.s32 $0x40, s15;
	s14 =	sadd.s32 $0x80, s14;
	[tilespmem:v2+s8+$0x0] =	vst.idx.add.f32.msk $0xffff, v3  }
0x31: {  	s13 =	sadd.s32 $0x1, s13  }
0x32: {  	p0 =	sne.s32 s13, $0xB  }
.Ltmp2:
0x33: {  	_ = 	snop;
	(pc) =	sbr.rel @p0 .LBB2_4-.Ltmp2, $2  }
0x34: {  	_ =	sdelay $0x2  }
0x35: {  	s12 =	sadd.s32 $0x200, s12  }
0x36: {  	s2 =	sadd.s32 $0x1, s2  }
0x37: {  	p0 =	sne.s32 s2, s5  }
.Ltmp3:
0x38: {  	_ = 	snop;
	(pc) =	sbr.rel @p0 .LBB2_1-.Ltmp3, $4  }
0x39: {  	[hbm4b:s9+s10] =	stream.strided.scatter [tilespmem:s8], [sflag:$0x1], $0x2780, s8, s10, $0x38;
	[tilespmem:$0x2B80] =	vst v63  }
0x3a: {  	_ =	swait.ge [sflag:s7], $0x2780  }
0x3b: {  	[sflag:s7] =	ssyncset.done $0x0  }
0x3c: {  	[sflag:s7] =	ssyncadd.s32 $0xFFFFD880  }
0x3d: {  	_ =	sfence.sel $0x180000  }
0x3e: {  	[bflag:$0x0] =	sbarrier.arrive $0xFFFF  }
0x3f: {  	p0 =	sne.s32 s1, $0x0;
	_ =	strace $0x90000047  }
0x40: {  	s0 =	sadd.s32 @!p0 $0x100000, s0;
	[bflag:$0x2] =	sbarrier.arrive $0xFFFF  }
0x41: {  	[sflag:s0] =	ssyncadd.tile.s32 @!p0 $0x1;
	_ =	shalt  }
.Lfunc_end2:
_tile_overlayer_lowered:
.L_overlay_start_2:
0x42: {  	(tag) =	ssettag $0x2  }
0x43: {  	s0 =	rddreg [dreg:$0x0];
	s2 =	stileid.u32  }
0x44: {  	s1 =	rddreg [dreg:$0x1];
	p0 =	sne.s32 s2, $0x0  }
0x45: {  	s3 =	rddreg [dreg:$0x2];
	[bflag:$0x3] =	sbarrier.arrive $0xFFFF;
	s2 =	simm.s32 @!p0 $0x1C01  }
0x46: {  	[timem:s3], [sflag:s2] =	dma.local @!p0 [hbm:s0], s1  }
0x47: {  	s0 =	simm.s32 @!p0 $0x1  }
0x48: {  	_ =	swait.ge @!p0 [sflag:s0], s1  }
0x49: {  	s1 =	ssub.s32 @!p0 $0x0, s1;
	[sflag:s0] =	ssyncset.done @!p0 $0x0  }
0x4a: {  	[sflag:s0] =	ssyncadd.s32 @!p0 s1  }
0x4b: {  	[bflag:$0x3] =	sbarrier.arrive $0xFFFF  }
0x4c: {  	_ =	shalt  }

</sc_bundles>
